<compile_context>
chip_gen: v7x
topology: tpu7x:2x2x1
jax: 0.10.2.dev20260603
libtpu: 0.0.44.dev20260713+nightly
codegen_flags: <defaults>
</compile_context>

<pallas_src>
import functools

import jax
import jax.numpy as jnp
from jax import lax
from jax.experimental import pallas as pl
from jax.experimental.pallas import tpu as pltpu
from jax.experimental.pallas import tpu_sc as plsc

DIM = 64
WINDOW_SIZE = 128

NC = 2
NS = 16
NW = NC * NS
LANES = 16

CHUNK = 128
GPB = 2
BLK = CHUNK * GPB


def _make_lookup(B):
    assert B % NW == 0
    per_w = B // NW
    assert per_w % BLK == 0
    nblk = per_w // BLK
    nchunk = per_w // CHUNK
    mesh = plsc.VectorSubcoreMesh(core_axis_name="c", subcore_axis_name="s")

    @functools.partial(
        pl.kernel,
        mesh=mesh,
        out_type=jax.ShapeDtypeStruct((B, DIM), jnp.float32),
        scratch_types=[
            pltpu.VMEM_SHARED((257, DIM), jnp.float32),
            pltpu.VMEM((nchunk, CHUNK), jnp.int32),
            pltpu.VMEM((CHUNK, DIM), jnp.float32),
            pltpu.VMEM((CHUNK, DIM), jnp.float32),
            pltpu.SemaphoreType.DMA,
            pltpu.SemaphoreType.DMA,
        ],
    )
    def lookup(table_hbm, dist_hbm, out_hbm, tbl_sh, idx_v, rows_a, rows_b,
               sem_a, sem_b):
        sid = lax.axis_index("s")
        wid = sid * NC + lax.axis_index("c")
        base = wid * per_w

        @pl.when(sid == 0)
        def _():
            pltpu.sync_copy(table_hbm, tbl_sh)

        pltpu.sync_copy(dist_hbm.at[wid], idx_v)
        plsc.subcore_barrier()

        def clip_row(j, carry):
            row = idx_v.at[j]
            for k in range(CHUNK // LANES):
                sl = pl.ds(k * LANES, LANES)
                v = row[sl]
                row[sl] = jnp.clip(v, -WINDOW_SIZE, WINDOW_SIZE) + WINDOW_SIZE
            return carry
        lax.fori_loop(0, nchunk, clip_row, 0)

        def outer(i, carry):
            c0 = 2 * i
            h_a = pltpu.async_copy(tbl_sh.at[idx_v.at[c0]], rows_a, sem_a)
            h_b = pltpu.async_copy(tbl_sh.at[idx_v.at[c0 + 1]], rows_b, sem_b)
            h_a.wait()
            pltpu.sync_copy(
                rows_a, out_hbm.at[pl.ds(base + c0 * CHUNK, CHUNK)])
            h_b.wait()
            pltpu.sync_copy(
                rows_b, out_hbm.at[pl.ds(base + (c0 + 1) * CHUNK, CHUNK)])
            return carry
        lax.fori_loop(0, nchunk // 2, outer, 0)

    return lookup


def kernel(table, distances):
    shape = distances.shape
    B = distances.size
    d = distances.astype(jnp.int32).reshape(NW, B // (NW * CHUNK), CHUNK)
    out = _make_lookup(B)(table.astype(jnp.float32), d)
    return out.reshape(*shape, DIM)

# --- scband reference (transcript-rebuilt; emitter-appended) ---
"""Pipeline reference for scband-relative-54331336294712 (READ-ONLY COPY).

The authoritative reference and input builder live on the scoring server;
editing this copy changes nothing except your own understanding.
"""

import jax, jax.numpy as jnp
import numpy as np

DIM = 64
WINDOW_SIZE = 128

def setup_inputs(seed: int = 0) -> dict:
    key = jax.random.key(seed)
    k1, k2 = jax.random.split(key)
    distances = jax.random.randint(k1, (8, 16, 2048), 0, 257, dtype=jnp.int64) if jax.config.jax_enable_x64 else jax.random.randint(k1, (8, 16, 2048), 0, 257, dtype=jnp.int32)
    # Embedding table: (2 * window_size + 1, dim), normal init like torch.nn.Embedding
    table = jax.random.normal(k2, (2 * WINDOW_SIZE + 1, DIM), dtype=jnp.float32)
    return {"table": table, "distances": distances}

def reference(table, distances):
    d = jnp.clip(distances, -WINDOW_SIZE, WINDOW_SIZE)
    d = d + WINDOW_SIZE
    return jnp.take(table, d, axis=0)

if __name__ == "__main__":
    import jax
    _d = setup_inputs()
    print(jax.jit(kernel)(*tuple(_d.values())))

</pallas_src>

<mosaic_0001>
#map = affine_map<(d0, d1) -> (0, 0)>
#map1 = affine_map<(d0, d1) -> (0, 0, 0)>
module attributes {stable_mosaic.version = 14 : i64} {
  func.func @lookup(%arg0: i32, %arg1: i32, %arg2: memref<257x64xf32, #tpu.memory_space<hbm>>, %arg3: memref<32x64x128xi32, #tpu.memory_space<hbm>>, %arg4: memref<262144x64xf32, #tpu.memory_space<hbm>>, %arg5: memref<257x64xf32, #tpu.memory_space<vmem_shared>>, %arg6: memref<64x128xi32, #tpu.memory_space<vmem>>, %arg7: memref<128x64xf32, #tpu.memory_space<vmem>>, %arg8: memref<128x64xf32, #tpu.memory_space<vmem>>, %arg9: memref<!tpu.dma_semaphore, #tpu.memory_space<semaphore_mem>>, %arg10: memref<!tpu.dma_semaphore, #tpu.memory_space<semaphore_mem>>) attributes {dimension_semantics = [#tpu.dimension_semantics<core_parallel>, #tpu.dimension_semantics<subcore_parallel>], iteration_bounds = array<i64: 2, 16>, scalar_prefetch = 0 : i64, scratch_operands = 6 : i64, tpu.core_type = #tpu.core_type<sc_vector_subcore>, window_params = [{transform_indices = #map}, {transform_indices = #map1}, {transform_indices = #map}]} {
    %mul3A = arith.constant 2 : i32
    %mul3A_0 = arith.muli %arg1, %mul3A : i32
    %add3A = arith.addi %mul3A_0, %arg0 : i32
    %mul3A_1 = arith.constant 8192 : i32
    %mul3A_2 = arith.muli %add3A, %mul3A_1 : i32
    %eq3A = arith.constant 0 : i32
    %eq3A_3 = arith.cmpi eq, %arg1, %eq3A : i32
    %convert_element_type3A = arith.extui %eq3A_3 : i1 to i32
    %cond3A = arith.constant 0 : i32
    %cond3A_4 = arith.cmpi ne, %convert_element_type3A, %cond3A : i32
    scf.if %cond3A_4 {
      "tpu.region"() ({
        %run_scoped3A = tpu.sem_alloc : memref<!tpu.dma_semaphore, #tpu.memory_space<semaphore_mem>>
        tpu.enqueue_dma source(%arg2 : memref<257x64xf32, #tpu.memory_space<hbm>>) target(%arg5 : memref<257x64xf32, #tpu.memory_space<vmem_shared>>) target_semaphore(%run_scoped3A : memref<!tpu.dma_semaphore, #tpu.memory_space<semaphore_mem>>)
        tpu.wait_dma2 semaphore(%run_scoped3A : memref<!tpu.dma_semaphore, #tpu.memory_space<semaphore_mem>>) src(%arg2 : memref<257x64xf32, #tpu.memory_space<hbm>>) dst(%arg5 : memref<257x64xf32, #tpu.memory_space<vmem_shared>>)
        tpu.yield
      }) : () -> ()
    } else {
    }
    "tpu.region"() ({
      %run_scoped3A = tpu.sem_alloc : memref<!tpu.dma_semaphore, #tpu.memory_space<semaphore_mem>>
      %dma_start3A = arith.constant 0 : i32
      %dma_start3A_16 = arith.constant 0 : i32
      %dma_start3A_17 = tpu.memref_slice %arg3[%add3A, %dma_start3A, %dma_start3A_16] : memref<32x64x128xi32, #tpu.memory_space<hbm>> -> memref<1x64x128xi32, #tpu.memory_space<hbm>>
      %dma_start3A_18 = tpu.memref_squeeze %dma_start3A_17 : memref<1x64x128xi32, #tpu.memory_space<hbm>> -> memref<64x128xi32, #tpu.memory_space<hbm>>
      %dma_start3A_19 = arith.constant 0 : i32
      %dma_start3A_20 = arith.constant 0 : i32
      %dma_start3A_21 = tpu.memref_slice %arg3[%add3A, %dma_start3A_19, %dma_start3A_20] : memref<32x64x128xi32, #tpu.memory_space<hbm>> -> memref<1x64x128xi32, #tpu.memory_space<hbm>>
      %dma_start3A_22 = tpu.memref_squeeze %dma_start3A_21 : memref<1x64x128xi32, #tpu.memory_space<hbm>> -> memref<64x128xi32, #tpu.memory_space<hbm>>
      tpu.enqueue_dma source(%dma_start3A_22 : memref<64x128xi32, #tpu.memory_space<hbm>>) target(%arg6 : memref<64x128xi32, #tpu.memory_space<vmem>>) target_semaphore(%run_scoped3A : memref<!tpu.dma_semaphore, #tpu.memory_space<semaphore_mem>>)
      %dma_wait3A = arith.constant 0 : i32
      %dma_wait3A_23 = arith.constant 0 : i32
      %dma_wait3A_24 = tpu.memref_slice %arg3[%add3A, %dma_wait3A, %dma_wait3A_23] : memref<32x64x128xi32, #tpu.memory_space<hbm>> -> memref<1x64x128xi32, #tpu.memory_space<hbm>>
      %dma_wait3A_25 = tpu.memref_squeeze %dma_wait3A_24 : memref<1x64x128xi32, #tpu.memory_space<hbm>> -> memref<64x128xi32, #tpu.memory_space<hbm>>
      %dma_wait3A_26 = arith.constant 0 : i32
      %dma_wait3A_27 = arith.constant 0 : i32
      %dma_wait3A_28 = tpu.memref_slice %arg3[%add3A, %dma_wait3A_26, %dma_wait3A_27] : memref<32x64x128xi32, #tpu.memory_space<hbm>> -> memref<1x64x128xi32, #tpu.memory_space<hbm>>
      %dma_wait3A_29 = tpu.memref_squeeze %dma_wait3A_28 : memref<1x64x128xi32, #tpu.memory_space<hbm>> -> memref<64x128xi32, #tpu.memory_space<hbm>>
      tpu.wait_dma2 semaphore(%run_scoped3A : memref<!tpu.dma_semaphore, #tpu.memory_space<semaphore_mem>>) src(%dma_wait3A_29 : memref<64x128xi32, #tpu.memory_space<hbm>>) dst(%arg6 : memref<64x128xi32, #tpu.memory_space<vmem>>)
      tpu.yield
    }) : () -> ()
    %barrier3A = arith.constant 0 : index
    tpu.barrier barrier_id(%barrier3A)
    %scan3A = arith.constant 0 : i32
    %scan3A_5 = arith.constant 0 : i32
    %scan3A_6 = arith.constant 64 : i32
    %scan3A_7 = arith.addi %scan3A_5, %scan3A_6 : i32
    %scan3A_8 = arith.constant 1 : i32
    scf.for %scan3A_16 = %scan3A_5 to %scan3A_7 step %scan3A_8  : i32 {
      %get3A = arith.constant 0 : i32
      %get3A_17 = tpu.memref_slice %arg6[%scan3A_16, %get3A] : memref<64x128xi32, #tpu.memory_space<vmem>> -> memref<1x128xi32, #tpu.memory_space<vmem>>
      %get3A_18 = tpu.memref_squeeze %get3A_17 : memref<1x128xi32, #tpu.memory_space<vmem>> -> memref<128xi32, #tpu.memory_space<vmem>>
      %get3A_19 = arith.constant 0 : index
      %get3A_20 = tpu.vector_load %get3A_18[%get3A_19] {strides = array<i32>} : memref<128xi32, #tpu.memory_space<vmem>>, vector<16xi32>,
      %get3A_21 = vector.shape_cast %get3A_20 : vector<16xi32> to vector<16xi32>
      %jit3A = arith.constant -128 : i32
      %jit3A_22 = arith.constant 128 : i32
      %max3A = vector.broadcast %jit3A : i32 to vector<16xi32>
      %max3A_23 = arith.maxsi %max3A, %get3A_21 : vector<16xi32>
      %min3A = vector.broadcast %jit3A_22 : i32 to vector<16xi32>
      %min3A_24 = arith.minsi %min3A, %max3A_23 : vector<16xi32>
      %add3A_25 = arith.constant 128 : i32
      %add3A_26 = vector.broadcast %add3A_25 : i32 to vector<16xi32>
      %add3A_27 = arith.addi %min3A_24, %add3A_26 : vector<16xi32>
      %swap3A = arith.constant 0 : i32
      %swap3A_28 = tpu.memref_slice %arg6[%scan3A_16, %swap3A] : memref<64x128xi32, #tpu.memory_space<vmem>> -> memref<1x128xi32, #tpu.memory_space<vmem>>
      %swap3A_29 = tpu.memref_squeeze %swap3A_28 : memref<1x128xi32, #tpu.memory_space<vmem>> -> memref<128xi32, #tpu.memory_space<vmem>>
      %swap3A_30 = arith.constant 0 : index
      %swap3A_31 = tpu.vector_load %swap3A_29[%swap3A_30] {strides = array<i32>} : memref<128xi32, #tpu.memory_space<vmem>>, vector<16xi32>,
      %swap3A_32 = vector.shape_cast %swap3A_31 : vector<16xi32> to vector<16xi32>
      %swap3A_33 = vector.shape_cast %add3A_27 : vector<16xi32> to vector<16xi32>
      tpu.vector_store %swap3A_29[%swap3A_30], %swap3A_33 {strides = array<i32>} : memref<128xi32, #tpu.memory_space<vmem>>, vector<16xi32>,
      %get3A_34 = arith.constant 0 : i32
      %get3A_35 = tpu.memref_slice %arg6[%scan3A_16, %get3A_34] : memref<64x128xi32, #tpu.memory_space<vmem>> -> memref<1x128xi32, #tpu.memory_space<vmem>>
      %get3A_36 = tpu.memref_squeeze %get3A_35 : memref<1x128xi32, #tpu.memory_space<vmem>> -> memref<128xi32, #tpu.memory_space<vmem>>
      %get3A_37 = arith.constant 16 : index
      %get3A_38 = tpu.vector_load %get3A_36[%get3A_37] {strides = array<i32>} : memref<128xi32, #tpu.memory_space<vmem>>, vector<16xi32>,
      %get3A_39 = vector.shape_cast %get3A_38 : vector<16xi32> to vector<16xi32>
      %jit3A_40 = arith.constant -128 : i32
      %jit3A_41 = arith.constant 128 : i32
      %max3A_42 = vector.broadcast %jit3A_40 : i32 to vector<16xi32>
      %max3A_43 = arith.maxsi %max3A_42, %get3A_39 : vector<16xi32>
      %min3A_44 = vector.broadcast %jit3A_41 : i32 to vector<16xi32>
      %min3A_45 = arith.minsi %min3A_44, %max3A_43 : vector<16xi32>
      %add3A_46 = arith.constant 128 : i32
      %add3A_47 = vector.broadcast %add3A_46 : i32 to vector<16xi32>
      %add3A_48 = arith.addi %min3A_45, %add3A_47 : vector<16xi32>
      %swap3A_49 = arith.constant 0 : i32
      %swap3A_50 = tpu.memref_slice %arg6[%scan3A_16, %swap3A_49] : memref<64x128xi32, #tpu.memory_space<vmem>> -> memref<1x128xi32, #tpu.memory_space<vmem>>
      %swap3A_51 = tpu.memref_squeeze %swap3A_50 : memref<1x128xi32, #tpu.memory_space<vmem>> -> memref<128xi32, #tpu.memory_space<vmem>>
      %swap3A_52 = arith.constant 16 : index
      %swap3A_53 = tpu.vector_load %swap3A_51[%swap3A_52] {strides = array<i32>} : memref<128xi32, #tpu.memory_space<vmem>>, vector<16xi32>,
      %swap3A_54 = vector.shape_cast %swap3A_53 : vector<16xi32> to vector<16xi32>
      %swap3A_55 = vector.shape_cast %add3A_48 : vector<16xi32> to vector<16xi32>
      tpu.vector_store %swap3A_51[%swap3A_52], %swap3A_55 {strides = array<i32>} : memref<128xi32, #tpu.memory_space<vmem>>, vector<16xi32>,
      %get3A_56 = arith.constant 0 : i32
      %get3A_57 = tpu.memref_slice %arg6[%scan3A_16, %get3A_56] : memref<64x128xi32, #tpu.memory_space<vmem>> -> memref<1x128xi32, #tpu.memory_space<vmem>>
      %get3A_58 = tpu.memref_squeeze %get3A_57 : memref<1x128xi32, #tpu.memory_space<vmem>> -> memref<128xi32, #tpu.memory_space<vmem>>
      %get3A_59 = arith.constant 32 : index
      %get3A_60 = tpu.vector_load %get3A_58[%get3A_59] {strides = array<i32>} : memref<128xi32, #tpu.memory_space<vmem>>, vector<16xi32>,
      %get3A_61 = vector.shape_cast %get3A_60 : vector<16xi32> to vector<16xi32>
      %jit3A_62 = arith.constant -128 : i32
      %jit3A_63 = arith.constant 128 : i32
      %max3A_64 = vector.broadcast %jit3A_62 : i32 to vector<16xi32>
      %max3A_65 = arith.maxsi %max3A_64, %get3A_61 : vector<16xi32>
      %min3A_66 = vector.broadcast %jit3A_63 : i32 to vector<16xi32>
      %min3A_67 = arith.minsi %min3A_66, %max3A_65 : vector<16xi32>
      %add3A_68 = arith.constant 128 : i32
      %add3A_69 = vector.broadcast %add3A_68 : i32 to vector<16xi32>
      %add3A_70 = arith.addi %min3A_67, %add3A_69 : vector<16xi32>
      %swap3A_71 = arith.constant 0 : i32
      %swap3A_72 = tpu.memref_slice %arg6[%scan3A_16, %swap3A_71] : memref<64x128xi32, #tpu.memory_space<vmem>> -> memref<1x128xi32, #tpu.memory_space<vmem>>
      %swap3A_73 = tpu.memref_squeeze %swap3A_72 : memref<1x128xi32, #tpu.memory_space<vmem>> -> memref<128xi32, #tpu.memory_space<vmem>>
      %swap3A_74 = arith.constant 32 : index
      %swap3A_75 = tpu.vector_load %swap3A_73[%swap3A_74] {strides = array<i32>} : memref<128xi32, #tpu.memory_space<vmem>>, vector<16xi32>,
      %swap3A_76 = vector.shape_cast %swap3A_75 : vector<16xi32> to vector<16xi32>
      %swap3A_77 = vector.shape_cast %add3A_70 : vector<16xi32> to vector<16xi32>
      tpu.vector_store %swap3A_73[%swap3A_74], %swap3A_77 {strides = array<i32>} : memref<128xi32, #tpu.memory_space<vmem>>, vector<16xi32>,
      %get3A_78 = arith.constant 0 : i32
      %get3A_79 = tpu.memref_slice %arg6[%scan3A_16, %get3A_78] : memref<64x128xi32, #tpu.memory_space<vmem>> -> memref<1x128xi32, #tpu.memory_space<vmem>>
      %get3A_80 = tpu.memref_squeeze %get3A_79 : memref<1x128xi32, #tpu.memory_space<vmem>> -> memref<128xi32, #tpu.memory_space<vmem>>
      %get3A_81 = arith.constant 48 : index
      %get3A_82 = tpu.vector_load %get3A_80[%get3A_81] {strides = array<i32>} : memref<128xi32, #tpu.memory_space<vmem>>, vector<16xi32>,
      %get3A_83 = vector.shape_cast %get3A_82 : vector<16xi32> to vector<16xi32>
      %jit3A_84 = arith.constant -128 : i32
      %jit3A_85 = arith.constant 128 : i32
      %max3A_86 = vector.broadcast %jit3A_84 : i32 to vector<16xi32>
      %max3A_87 = arith.maxsi %max3A_86, %get3A_83 : vector<16xi32>
      %min3A_88 = vector.broadcast %jit3A_85 : i32 to vector<16xi32>
      %min3A_89 = arith.minsi %min3A_88, %max3A_87 : vector<16xi32>
      %add3A_90 = arith.constant 128 : i32
      %add3A_91 = vector.broadcast %add3A_90 : i32 to vector<16xi32>
      %add3A_92 = arith.addi %min3A_89, %add3A_91 : vector<16xi32>
      %swap3A_93 = arith.constant 0 : i32
      %swap3A_94 = tpu.memref_slice %arg6[%scan3A_16, %swap3A_93] : memref<64x128xi32, #tpu.memory_space<vmem>> -> memref<1x128xi32, #tpu.memory_space<vmem>>
      %swap3A_95 = tpu.memref_squeeze %swap3A_94 : memref<1x128xi32, #tpu.memory_space<vmem>> -> memref<128xi32, #tpu.memory_space<vmem>>
      %swap3A_96 = arith.constant 48 : index
      %swap3A_97 = tpu.vector_load %swap3A_95[%swap3A_96] {strides = array<i32>} : memref<128xi32, #tpu.memory_space<vmem>>, vector<16xi32>,
      %swap3A_98 = vector.shape_cast %swap3A_97 : vector<16xi32> to vector<16xi32>
      %swap3A_99 = vector.shape_cast %add3A_92 : vector<16xi32> to vector<16xi32>
      tpu.vector_store %swap3A_95[%swap3A_96], %swap3A_99 {strides = array<i32>} : memref<128xi32, #tpu.memory_space<vmem>>, vector<16xi32>,
      %get3A_100 = arith.constant 0 : i32
      %get3A_101 = tpu.memref_slice %arg6[%scan3A_16, %get3A_100] : memref<64x128xi32, #tpu.memory_space<vmem>> -> memref<1x128xi32, #tpu.memory_space<vmem>>
      %get3A_102 = tpu.memref_squeeze %get3A_101 : memref<1x128xi32, #tpu.memory_space<vmem>> -> memref<128xi32, #tpu.memory_space<vmem>>
      %get3A_103 = arith.constant 64 : index
      %get3A_104 = tpu.vector_load %get3A_102[%get3A_103] {strides = array<i32>} : memref<128xi32, #tpu.memory_space<vmem>>, vector<16xi32>,
      %get3A_105 = vector.shape_cast %get3A_104 : vector<16xi32> to vector<16xi32>
      %jit3A_106 = arith.constant -128 : i32
      %jit3A_107 = arith.constant 128 : i32
      %max3A_108 = vector.broadcast %jit3A_106 : i32 to vector<16xi32>
      %max3A_109 = arith.maxsi %max3A_108, %get3A_105 : vector<16xi32>
      %min3A_110 = vector.broadcast %jit3A_107 : i32 to vector<16xi32>
      %min3A_111 = arith.minsi %min3A_110, %max3A_109 : vector<16xi32>
      %add3A_112 = arith.constant 128 : i32
      %add3A_113 = vector.broadcast %add3A_112 : i32 to vector<16xi32>
      %add3A_114 = arith.addi %min3A_111, %add3A_113 : vector<16xi32>
      %swap3A_115 = arith.constant 0 : i32
      %swap3A_116 = tpu.memref_slice %arg6[%scan3A_16, %swap3A_115] : memref<64x128xi32, #tpu.memory_space<vmem>> -> memref<1x128xi32, #tpu.memory_space<vmem>>
      %swap3A_117 = tpu.memref_squeeze %swap3A_116 : memref<1x128xi32, #tpu.memory_space<vmem>> -> memref<128xi32, #tpu.memory_space<vmem>>
      %swap3A_118 = arith.constant 64 : index
      %swap3A_119 = tpu.vector_load %swap3A_117[%swap3A_118] {strides = array<i32>} : memref<128xi32, #tpu.memory_space<vmem>>, vector<16xi32>,
      %swap3A_120 = vector.shape_cast %swap3A_119 : vector<16xi32> to vector<16xi32>
      %swap3A_121 = vector.shape_cast %add3A_114 : vector<16xi32> to vector<16xi32>
      tpu.vector_store %swap3A_117[%swap3A_118], %swap3A_121 {strides = array<i32>} : memref<128xi32, #tpu.memory_space<vmem>>, vector<16xi32>,
      %get3A_122 = arith.constant 0 : i32
      %get3A_123 = tpu.memref_slice %arg6[%scan3A_16, %get3A_122] : memref<64x128xi32, #tpu.memory_space<vmem>> -> memref<1x128xi32, #tpu.memory_space<vmem>>
      %get3A_124 = tpu.memref_squeeze %get3A_123 : memref<1x128xi32, #tpu.memory_space<vmem>> -> memref<128xi32, #tpu.memory_space<vmem>>
      %get3A_125 = arith.constant 80 : index
      %get3A_126 = tpu.vector_load %get3A_124[%get3A_125] {strides = array<i32>} : memref<128xi32, #tpu.memory_space<vmem>>, vector<16xi32>,
      %get3A_127 = vector.shape_cast %get3A_126 : vector<16xi32> to vector<16xi32>
      %jit3A_128 = arith.constant -128 : i32
      %jit3A_129 = arith.constant 128 : i32
      %max3A_130 = vector.broadcast %jit3A_128 : i32 to vector<16xi32>
      %max3A_131 = arith.maxsi %max3A_130, %get3A_127 : vector<16xi32>
      %min3A_132 = vector.broadcast %jit3A_129 : i32 to vector<16xi32>
      %min3A_133 = arith.minsi %min3A_132, %max3A_131 : vector<16xi32>
      %add3A_134 = arith.constant 128 : i32
      %add3A_135 = vector.broadcast %add3A_134 : i32 to vector<16xi32>
      %add3A_136 = arith.addi %min3A_133, %add3A_135 : vector<16xi32>
      %swap3A_137 = arith.constant 0 : i32
      %swap3A_138 = tpu.memref_slice %arg6[%scan3A_16, %swap3A_137] : memref<64x128xi32, #tpu.memory_space<vmem>> -> memref<1x128xi32, #tpu.memory_space<vmem>>
      %swap3A_139 = tpu.memref_squeeze %swap3A_138 : memref<1x128xi32, #tpu.memory_space<vmem>> -> memref<128xi32, #tpu.memory_space<vmem>>
      %swap3A_140 = arith.constant 80 : index
      %swap3A_141 = tpu.vector_load %swap3A_139[%swap3A_140] {strides = array<i32>} : memref<128xi32, #tpu.memory_space<vmem>>, vector<16xi32>,
      %swap3A_142 = vector.shape_cast %swap3A_141 : vector<16xi32> to vector<16xi32>
      %swap3A_143 = vector.shape_cast %add3A_136 : vector<16xi32> to vector<16xi32>
      tpu.vector_store %swap3A_139[%swap3A_140], %swap3A_143 {strides = array<i32>} : memref<128xi32, #tpu.memory_space<vmem>>, vector<16xi32>,
      %get3A_144 = arith.constant 0 : i32
      %get3A_145 = tpu.memref_slice %arg6[%scan3A_16, %get3A_144] : memref<64x128xi32, #tpu.memory_space<vmem>> -> memref<1x128xi32, #tpu.memory_space<vmem>>
      %get3A_146 = tpu.memref_squeeze %get3A_145 : memref<1x128xi32, #tpu.memory_space<vmem>> -> memref<128xi32, #tpu.memory_space<vmem>>
      %get3A_147 = arith.constant 96 : index
      %get3A_148 = tpu.vector_load %get3A_146[%get3A_147] {strides = array<i32>} : memref<128xi32, #tpu.memory_space<vmem>>, vector<16xi32>,
      %get3A_149 = vector.shape_cast %get3A_148 : vector<16xi32> to vector<16xi32>
      %jit3A_150 = arith.constant -128 : i32
      %jit3A_151 = arith.constant 128 : i32
      %max3A_152 = vector.broadcast %jit3A_150 : i32 to vector<16xi32>
      %max3A_153 = arith.maxsi %max3A_152, %get3A_149 : vector<16xi32>
      %min3A_154 = vector.broadcast %jit3A_151 : i32 to vector<16xi32>
      %min3A_155 = arith.minsi %min3A_154, %max3A_153 : vector<16xi32>
      %add3A_156 = arith.constant 128 : i32
      %add3A_157 = vector.broadcast %add3A_156 : i32 to vector<16xi32>
      %add3A_158 = arith.addi %min3A_155, %add3A_157 : vector<16xi32>
      %swap3A_159 = arith.constant 0 : i32
      %swap3A_160 = tpu.memref_slice %arg6[%scan3A_16, %swap3A_159] : memref<64x128xi32, #tpu.memory_space<vmem>> -> memref<1x128xi32, #tpu.memory_space<vmem>>
      %swap3A_161 = tpu.memref_squeeze %swap3A_160 : memref<1x128xi32, #tpu.memory_space<vmem>> -> memref<128xi32, #tpu.memory_space<vmem>>
      %swap3A_162 = arith.constant 96 : index
      %swap3A_163 = tpu.vector_load %swap3A_161[%swap3A_162] {strides = array<i32>} : memref<128xi32, #tpu.memory_space<vmem>>, vector<16xi32>,
      %swap3A_164 = vector.shape_cast %swap3A_163 : vector<16xi32> to vector<16xi32>
      %swap3A_165 = vector.shape_cast %add3A_158 : vector<16xi32> to vector<16xi32>
      tpu.vector_store %swap3A_161[%swap3A_162], %swap3A_165 {strides = array<i32>} : memref<128xi32, #tpu.memory_space<vmem>>, vector<16xi32>,
      %get3A_166 = arith.constant 0 : i32
      %get3A_167 = tpu.memref_slice %arg6[%scan3A_16, %get3A_166] : memref<64x128xi32, #tpu.memory_space<vmem>> -> memref<1x128xi32, #tpu.memory_space<vmem>>
      %get3A_168 = tpu.memref_squeeze %get3A_167 : memref<1x128xi32, #tpu.memory_space<vmem>> -> memref<128xi32, #tpu.memory_space<vmem>>
      %get3A_169 = arith.constant 112 : index
      %get3A_170 = tpu.vector_load %get3A_168[%get3A_169] {strides = array<i32>} : memref<128xi32, #tpu.memory_space<vmem>>, vector<16xi32>,
      %get3A_171 = vector.shape_cast %get3A_170 : vector<16xi32> to vector<16xi32>
      %jit3A_172 = arith.constant -128 : i32
      %jit3A_173 = arith.constant 128 : i32
      %max3A_174 = vector.broadcast %jit3A_172 : i32 to vector<16xi32>
      %max3A_175 = arith.maxsi %max3A_174, %get3A_171 : vector<16xi32>
      %min3A_176 = vector.broadcast %jit3A_173 : i32 to vector<16xi32>
      %min3A_177 = arith.minsi %min3A_176, %max3A_175 : vector<16xi32>
      %add3A_178 = arith.constant 128 : i32
      %add3A_179 = vector.broadcast %add3A_178 : i32 to vector<16xi32>
      %add3A_180 = arith.addi %min3A_177, %add3A_179 : vector<16xi32>
      %swap3A_181 = arith.constant 0 : i32
      %swap3A_182 = tpu.memref_slice %arg6[%scan3A_16, %swap3A_181] : memref<64x128xi32, #tpu.memory_space<vmem>> -> memref<1x128xi32, #tpu.memory_space<vmem>>
      %swap3A_183 = tpu.memref_squeeze %swap3A_182 : memref<1x128xi32, #tpu.memory_space<vmem>> -> memref<128xi32, #tpu.memory_space<vmem>>
      %swap3A_184 = arith.constant 112 : index
      %swap3A_185 = tpu.vector_load %swap3A_183[%swap3A_184] {strides = array<i32>} : memref<128xi32, #tpu.memory_space<vmem>>, vector<16xi32>,
      %swap3A_186 = vector.shape_cast %swap3A_185 : vector<16xi32> to vector<16xi32>
      %swap3A_187 = vector.shape_cast %add3A_180 : vector<16xi32> to vector<16xi32>
      tpu.vector_store %swap3A_183[%swap3A_184], %swap3A_187 {strides = array<i32>} : memref<128xi32, #tpu.memory_space<vmem>>, vector<16xi32>,
    }
    %scan3A_9 = arith.constant 64 : i32
    %scan3A_10 = arith.constant 0 : i32
    %scan3A_11 = arith.constant 0 : i32
    %scan3A_12 = arith.constant 32 : i32
    %scan3A_13 = arith.addi %scan3A_11, %scan3A_12 : i32
    %scan3A_14 = arith.constant 1 : i32
    scf.for %scan3A_16 = %scan3A_11 to %scan3A_13 step %scan3A_14  : i32 {
      %mul3A_17 = arith.constant 2 : i32
      %mul3A_18 = arith.muli %mul3A_17, %scan3A_16 : i32
      %dma_start3A = arith.constant 0 : i32
      %dma_start3A_19 = tpu.memref_slice %arg6[%mul3A_18, %dma_start3A] : memref<64x128xi32, #tpu.memory_space<vmem>> -> memref<1x128xi32, #tpu.memory_space<vmem>>
      %dma_start3A_20 = tpu.memref_squeeze %dma_start3A_19 : memref<1x128xi32, #tpu.memory_space<vmem>> -> memref<128xi32, #tpu.memory_space<vmem>>
      %dma_start3A_21 = arith.constant 0 : i32
      %dma_start3A_22 = arith.constant 0 : i32
      %dma_start3A_23 = tpu.memref_slice %arg5[%dma_start3A_21, %dma_start3A_22] : memref<257x64xf32, #tpu.memory_space<vmem_shared>> -> memref<257x64xf32, #tpu.memory_space<vmem_shared>>
      tpu.enqueue_indirect_dma source(%dma_start3A_23 : memref<257x64xf32, #tpu.memory_space<vmem_shared>>) target(%arg7 : memref<128x64xf32, #tpu.memory_space<vmem>>) offsets(%dma_start3A_20 : memref<128xi32, #tpu.memory_space<vmem>>) semaphore(%arg9 : memref<!tpu.dma_semaphore, #tpu.memory_space<semaphore_mem>>)
      %add3A_24 = arith.constant 1 : i32
      %add3A_25 = arith.addi %mul3A_18, %add3A_24 : i32
      %dma_start3A_26 = arith.constant 0 : i32
      %dma_start3A_27 = tpu.memref_slice %arg6[%add3A_25, %dma_start3A_26] : memref<64x128xi32, #tpu.memory_space<vmem>> -> memref<1x128xi32, #tpu.memory_space<vmem>>
      %dma_start3A_28 = tpu.memref_squeeze %dma_start3A_27 : memref<1x128xi32, #tpu.memory_space<vmem>> -> memref<128xi32, #tpu.memory_space<vmem>>
      %dma_start3A_29 = arith.constant 0 : i32
      %dma_start3A_30 = arith.constant 0 : i32
      %dma_start3A_31 = tpu.memref_slice %arg5[%dma_start3A_29, %dma_start3A_30] : memref<257x64xf32, #tpu.memory_space<vmem_shared>> -> memref<257x64xf32, #tpu.memory_space<vmem_shared>>
      tpu.enqueue_indirect_dma source(%dma_start3A_31 : memref<257x64xf32, #tpu.memory_space<vmem_shared>>) target(%arg8 : memref<128x64xf32, #tpu.memory_space<vmem>>) offsets(%dma_start3A_28 : memref<128xi32, #tpu.memory_space<vmem>>) semaphore(%arg10 : memref<!tpu.dma_semaphore, #tpu.memory_space<semaphore_mem>>)
      %dma_wait3A = arith.constant 0 : i32
      %dma_wait3A_32 = tpu.memref_slice %arg6[%mul3A_18, %dma_wait3A] : memref<64x128xi32, #tpu.memory_space<vmem>> -> memref<1x128xi32, #tpu.memory_space<vmem>>
      %dma_wait3A_33 = tpu.memref_squeeze %dma_wait3A_32 : memref<1x128xi32, #tpu.memory_space<vmem>> -> memref<128xi32, #tpu.memory_space<vmem>>
      %dma_wait3A_34 = arith.constant 0 : i32
      %dma_wait3A_35 = arith.constant 0 : i32
      %dma_wait3A_36 = tpu.memref_slice %arg5[%dma_wait3A_34, %dma_wait3A_35] : memref<257x64xf32, #tpu.memory_space<vmem_shared>> -> memref<257x64xf32, #tpu.memory_space<vmem_shared>>
      tpu.wait_indirect_dma semaphore(%arg9 : memref<!tpu.dma_semaphore, #tpu.memory_space<semaphore_mem>>) src(%dma_wait3A_36 : memref<257x64xf32, #tpu.memory_space<vmem_shared>>) dst(%arg7 : memref<128x64xf32, #tpu.memory_space<vmem>>)
      %mul3A_37 = arith.constant 128 : i32
      %mul3A_38 = arith.muli %mul3A_18, %mul3A_37 : i32
      %add3A_39 = arith.addi %mul3A_2, %mul3A_38 : i32
      "tpu.region"() ({
        %run_scoped3A = tpu.sem_alloc : memref<!tpu.dma_semaphore, #tpu.memory_space<semaphore_mem>>
        %dma_start3A_51 = arith.constant 0 : i32
        %dma_start3A_52 = tpu.memref_slice %arg4[%add3A_39, %dma_start3A_51] : memref<262144x64xf32, #tpu.memory_space<hbm>> -> memref<128x64xf32, #tpu.memory_space<hbm>>
        %dma_start3A_53 = arith.constant 0 : i32
        %dma_start3A_54 = tpu.memref_slice %arg4[%add3A_39, %dma_start3A_53] : memref<262144x64xf32, #tpu.memory_space<hbm>> -> memref<128x64xf32, #tpu.memory_space<hbm>>
        tpu.enqueue_dma source(%arg7 : memref<128x64xf32, #tpu.memory_space<vmem>>) target(%dma_start3A_54 : memref<128x64xf32, #tpu.memory_space<hbm>>) target_semaphore(%run_scoped3A : memref<!tpu.dma_semaphore, #tpu.memory_space<semaphore_mem>>)
        %dma_wait3A_55 = arith.constant 0 : i32
        %dma_wait3A_56 = tpu.memref_slice %arg4[%add3A_39, %dma_wait3A_55] : memref<262144x64xf32, #tpu.memory_space<hbm>> -> memref<128x64xf32, #tpu.memory_space<hbm>>
        %dma_wait3A_57 = arith.constant 0 : i32
        %dma_wait3A_58 = tpu.memref_slice %arg4[%add3A_39, %dma_wait3A_57] : memref<262144x64xf32, #tpu.memory_space<hbm>> -> memref<128x64xf32, #tpu.memory_space<hbm>>
        tpu.wait_dma2 semaphore(%run_scoped3A : memref<!tpu.dma_semaphore, #tpu.memory_space<semaphore_mem>>) src(%arg7 : memref<128x64xf32, #tpu.memory_space<vmem>>) dst(%dma_wait3A_58 : memref<128x64xf32, #tpu.memory_space<hbm>>)
        tpu.yield
      }) : () -> ()
      %dma_wait3A_40 = arith.constant 0 : i32
      %dma_wait3A_41 = tpu.memref_slice %arg6[%add3A_25, %dma_wait3A_40] : memref<64x128xi32, #tpu.memory_space<vmem>> -> memref<1x128xi32, #tpu.memory_space<vmem>>
      %dma_wait3A_42 = tpu.memref_squeeze %dma_wait3A_41 : memref<1x128xi32, #tpu.memory_space<vmem>> -> memref<128xi32, #tpu.memory_space<vmem>>
      %dma_wait3A_43 = arith.constant 0 : i32
      %dma_wait3A_44 = arith.constant 0 : i32
      %dma_wait3A_45 = tpu.memref_slice %arg5[%dma_wait3A_43, %dma_wait3A_44] : memref<257x64xf32, #tpu.memory_space<vmem_shared>> -> memref<257x64xf32, #tpu.memory_space<vmem_shared>>
      tpu.wait_indirect_dma semaphore(%arg10 : memref<!tpu.dma_semaphore, #tpu.memory_space<semaphore_mem>>) src(%dma_wait3A_45 : memref<257x64xf32, #tpu.memory_space<vmem_shared>>) dst(%arg8 : memref<128x64xf32, #tpu.memory_space<vmem>>)
      %add3A_46 = arith.constant 1 : i32
      %add3A_47 = arith.addi %mul3A_18, %add3A_46 : i32
      %mul3A_48 = arith.constant 128 : i32
      %mul3A_49 = arith.muli %add3A_47, %mul3A_48 : i32
      %add3A_50 = arith.addi %mul3A_2, %mul3A_49 : i32
      "tpu.region"() ({
        %run_scoped3A = tpu.sem_alloc : memref<!tpu.dma_semaphore, #tpu.memory_space<semaphore_mem>>
        %dma_start3A_51 = arith.constant 0 : i32
        %dma_start3A_52 = tpu.memref_slice %arg4[%add3A_50, %dma_start3A_51] : memref<262144x64xf32, #tpu.memory_space<hbm>> -> memref<128x64xf32, #tpu.memory_space<hbm>>
        %dma_start3A_53 = arith.constant 0 : i32
        %dma_start3A_54 = tpu.memref_slice %arg4[%add3A_50, %dma_start3A_53] : memref<262144x64xf32, #tpu.memory_space<hbm>> -> memref<128x64xf32, #tpu.memory_space<hbm>>
        tpu.enqueue_dma source(%arg8 : memref<128x64xf32, #tpu.memory_space<vmem>>) target(%dma_start3A_54 : memref<128x64xf32, #tpu.memory_space<hbm>>) target_semaphore(%run_scoped3A : memref<!tpu.dma_semaphore, #tpu.memory_space<semaphore_mem>>)
        %dma_wait3A_55 = arith.constant 0 : i32
        %dma_wait3A_56 = tpu.memref_slice %arg4[%add3A_50, %dma_wait3A_55] : memref<262144x64xf32, #tpu.memory_space<hbm>> -> memref<128x64xf32, #tpu.memory_space<hbm>>
        %dma_wait3A_57 = arith.constant 0 : i32
        %dma_wait3A_58 = tpu.memref_slice %arg4[%add3A_50, %dma_wait3A_57] : memref<262144x64xf32, #tpu.memory_space<hbm>> -> memref<128x64xf32, #tpu.memory_space<hbm>>
        tpu.wait_dma2 semaphore(%run_scoped3A : memref<!tpu.dma_semaphore, #tpu.memory_space<semaphore_mem>>) src(%arg8 : memref<128x64xf32, #tpu.memory_space<vmem>>) dst(%dma_wait3A_58 : memref<128x64xf32, #tpu.memory_space<hbm>>)
        tpu.yield
      }) : () -> ()
    }
    %scan3A_15 = arith.constant 32 : i32
    return
  }
}

</mosaic_0001>

<sc_bundles>
// kernel: kernel.3.cloned.1.call-start
scs
__scs_entry_jumppad:
0x0: {  	(pc) =	sbr.rel $0x88, $3  }
0x1: {  	(tag) =	ssettag $0x0;
	lr =	simm.s32 $0x1  }
0x2: {  	[smem:$0x3F9F] =	sst lr;
	_ =	strace $0xD0000000  }
0x3: {  	_ = 	snop  }
0x4: {  	_ = 	snop  }
0x5: {  	_ = 	snop  }
0x6: {  	_ = 	snop  }
0x7: {  	_ = 	snop  }
__scs_overlays_trampoline_lowered:
0x8: {  	[smem:$0x3FAE] =	sst s0  }
0x9: {  	[smem:$0x3FAF] =	sst s1  }
0xa: {  	[smem:$0x3FB0] =	sst s2  }
0xb: {  	[smem:$0x3FB1] =	sst s3  }
0xc: {  	[smem:$0x3FB2] =	sst s4  }
0xd: {  	[smem:$0x3FB3] =	sst s5  }
0xe: {  	[smem:$0x3FB4] =	sst s6  }
0xf: {  	[smem:$0x3FB5] =	sst s7  }
0x10: {  	[smem:$0x3FB6] =	sst s8  }
0x11: {  	[smem:$0x3FB7] =	sst s9;
	s0 =	simm.s32 @!p0 $0x0  }
0x12: {  	s1 =	sld [smem:$0x3F9D];
	s0 =	simm.s32 @p0 $0x1  }
0x13: {  	[smem:$0x3FB8] =	sst s0;
	s0 =	simm.s32 @!p1 $0x0  }
0x14: {  	s2 =	sld [smem:$0x3F9C];
	s0 =	simm.s32 @p1 $0x1  }
0x15: {  	[smem:$0x3FB9] =	sst s0;
	s0 =	simm.s32 @!p2 $0x0  }
0x16: {  	s3 =	sld [smem:$0x3FDB];
	s0 =	simm.s32 @p2 $0x1  }
0x17: {  	s4 =	simm.s32 $0x1BF5;
	[smem:$0x3FBB] =	sst s0  }
0x18: {  	s0 =	sld [smem:$0x3F9E];
	_ =	swait.ge [sflag:s4], $0x0  }
0x19: {  	s7 =	sld [smem:$0x3F9F]  }
0x1a: {  	s8 =	sadd.s32 $0xFFFFE003, lr  }
0x1b: {  	s9 =	sadd.s32 $0xFFFFFEF7, lr;
	s5 =	simm.s32 $0xFFFFFFFF;
	p2 =	slt.u32 s8, $0xFFFFF086  }
0x1c: {  	p1 =	slt.u32 s9, $0xF7A;
	s5 =	simm.s32 @!p2 $0x0  }
0x1d: {  	s5 =	simm.s32 @p1 $0x1;
	p0 =	seq.s32 s7, s2  }
0x1e: {  	s7 =	smul.u32 @!p0 $0xF7A, s2;
	p2 =	seq.s32 @!p0 s5, $0x0  }
0x1f: {  	s9 =	smul.u32 $0xF7A, s1;
	s8 =	simm.s32 @!p0 $0x1BF5;
	p2 =	por !p2, p0  }
0x20: {  	[sflag:s8] =	ssyncset.s32 @!p0 $0xFFFFF086;
	s6 =	sadd.s32 @!p0 s3, s7;
	s7 =	simm.s32 @!p0 $0x108  }
0x21: {  	s3 =	sadd.s32 s3, s9;
	s6 =	sadd.s32 @!p0 $0x88, s6;
	s7 =	simm.s32 @p2 $0x1082  }
0x22: {  	[simem:s7], [sflag:s8] =	dma.local @!p0 [hbm:s6], $0xF7A  }
0x23: {  	s9 =	sor.u32 $0xD0000000, s2;
	s6 =	simm.s32 $0x108;
	_ =	swait.ge @!p0 [sflag:s8], $0x0  }
0x24: {  	s3 =	sadd.s32 $0x88, s3;
	s6 =	simm.s32 @!p1 $0x1082;
	[sflag:s4] =	ssyncset.s32 $0xFFFFF086  }
0x25: {  	[simem:s6], [sflag:s4] =	dma.local [hbm:s3], $0xF7A  }
0x26: {  	[smem:$0x3F9F] =	sst s1;
	(tag) =	ssettag s2;
	_ =	strace s9  }
0x27: {  	s1 =	sld [smem:$0x3FAF]  }
0x28: {  	s2 =	sld [smem:$0x3FB0]  }
0x29: {  	s4 =	sld [smem:$0x3FB2]  }
0x2a: {  	p0 =	seq.s32 s5, $0x0;
	s5 =	sld [smem:$0x3FB3]  }
0x2b: {  	s6 =	sld [smem:$0x3FB4]  }
0x2c: {  	s7 =	sld [smem:$0x3FB5]  }
0x2d: {  	s3 =	simm.s32 $0x108;
	s8 =	sld [smem:$0x3FB6]  }
0x2e: {  	s3 =	simm.s32 @!p0 $0x1082;
	s9 =	sld [smem:$0x3FB7]  }
0x2f: {  	lr =	sadd.s32 s0, s3;
	s0 =	sld [smem:$0x3FAE]  }
0x30: {  	s3 =	sld [smem:$0x3FB1]  }
0x31: {  	[smem:$0x3FBA] =	sst s10  }
0x32: {  	s10 =	sld [smem:$0x3FB8];
	_ =	sdelay $0x3  }
0x33: {  	p0 =	seq.s32 s10, $0x1;
	s10 =	sld [smem:$0x3FBA];
	_ =	sdelay $0x3  }
0x34: {  	[smem:$0x3FBA] =	sst s10  }
0x35: {  	s10 =	sld [smem:$0x3FB9];
	_ =	sdelay $0x3  }
0x36: {  	p1 =	seq.s32 s10, $0x1;
	s10 =	sld [smem:$0x3FBA];
	_ =	sdelay $0x3  }
0x37: {  	[smem:$0x3FBA] =	sst s10  }
0x38: {  	s10 =	sld [smem:$0x3FBB]  }
0x39: {  	_ = 	snop;
	(pc) =	sbr.ind lr, $3  }
0x3a: {  	_ = 	snop  }
0x3b: {  	_ = 	snop  }
0x3c: {  	p2 =	seq.s32 s10, $0x1;
	s10 =	sld [smem:$0x3FBA]  }
0x3d: {  	_ =	shalt  }
0x3e: {  	_ =	shalt  }
0x3f: {  	_ =	shalt  }
0x40: {  	_ =	shalt  }
0x41: {  	_ =	shalt  }
0x42: {  	_ =	shalt  }
0x43: {  	_ =	shalt  }
0x44: {  	_ =	shalt  }
0x45: {  	_ =	shalt  }
0x46: {  	_ =	shalt  }
0x47: {  	_ =	shalt  }
0x48: {  	_ =	shalt  }
0x49: {  	_ =	shalt  }
0x4a: {  	_ =	shalt  }
0x4b: {  	_ =	shalt  }
0x4c: {  	_ =	shalt  }
0x4d: {  	_ =	shalt  }
0x4e: {  	_ =	shalt  }
0x4f: {  	_ =	shalt  }
0x50: {  	_ =	shalt  }
0x51: {  	_ =	shalt  }
0x52: {  	_ =	shalt  }
0x53: {  	_ =	shalt  }
0x54: {  	_ =	shalt  }
0x55: {  	_ =	shalt  }
0x56: {  	_ =	shalt  }
0x57: {  	_ =	shalt  }
0x58: {  	_ =	shalt  }
0x59: {  	_ =	shalt  }
0x5a: {  	_ =	shalt  }
0x5b: {  	_ =	shalt  }
0x5c: {  	_ =	shalt  }
0x5d: {  	_ =	shalt  }
0x5e: {  	_ =	shalt  }
0x5f: {  	_ =	shalt  }
0x60: {  	_ =	shalt  }
0x61: {  	_ =	shalt  }
0x62: {  	_ =	shalt  }
0x63: {  	_ =	shalt  }
0x64: {  	_ =	shalt  }
0x65: {  	_ =	shalt  }
0x66: {  	_ =	shalt  }
0x67: {  	_ =	shalt  }
0x68: {  	_ =	shalt  }
0x69: {  	_ =	shalt  }
0x6a: {  	_ =	shalt  }
0x6b: {  	_ =	shalt  }
0x6c: {  	_ =	shalt  }
0x6d: {  	_ =	shalt  }
0x6e: {  	_ =	shalt  }
0x6f: {  	_ =	shalt  }
0x70: {  	_ =	shalt  }
0x71: {  	_ =	shalt  }
0x72: {  	_ =	shalt  }
0x73: {  	_ =	shalt  }
0x74: {  	_ =	shalt  }
0x75: {  	_ =	shalt  }
0x76: {  	_ =	shalt  }
0x77: {  	_ =	shalt  }
0x78: {  	_ =	shalt  }
0x79: {  	_ =	shalt  }
0x7a: {  	_ =	shalt  }
0x7b: {  	_ =	shalt  }
0x7c: {  	_ =	shalt  }
0x7d: {  	_ =	shalt  }
0x7e: {  	_ =	shalt  }
0x7f: {  	_ =	shalt  }
0x80: {  	_ =	shalt  }
0x81: {  	_ =	shalt  }
0x82: {  	_ =	shalt  }
0x83: {  	_ =	shalt  }
0x84: {  	_ =	shalt  }
0x85: {  	_ =	shalt  }
0x86: {  	_ =	shalt  }
0x87: {  	_ =	shalt  }
.Lfunc_end0:
.L_simem_size_0:
called_computation.1_lowered:
.L_overlay_start_0:
0x88: {  	s2 =	sld [smem:$0x3FD9]  }
0x89: {  	s3 =	sld [smem:$0x3FFE];
	_ =	sdelay $0x1  }
0x8a: {  	s1 =	srdreg.scid  }
0x8b: {  	s0 =	sand.u32 $0x1, s1  }
0x8c: {  	s17 =	sshll.u32 s0, $0xA;
	s2 =	sadd.s32 s3, s2  }
0x8d: {  	s2 =	sadd.s32 s2, s17  }
0x8e: {  	[smem:$0x3FC6] =	sst s2  }
0x8f: {  	_ = 	snop  }
0x90: {  	s2 =	sld [smem:$0x3FD0];
	(tm) =	ssettm $0x1  }
0x91: {  	s18 =	sld [smem:$0x3FFB];
	_ =	sdelay $0x3  }
0x92: {  	_ =	strace s18  }
0x93: {  	s3 =	sld [smem:$0x3FFC];
	_ =	sdelay $0x3  }
0x94: {  	_ =	strace s3  }
0x95: {  	s3 =	sld [smem:$0x3FFD];
	_ =	sdelay $0x3  }
0x96: {  	_ =	strace s3  }
0x97: {  	_ =	strace $0x8FFFFFFF  }
0x98: {  	s19 =	sld [smem:$0x3FDB];
	_ =	sdelay $0x1  }
0x99: {  	s4 =	simm.s32 $_scs_section_size  }
0x9a: {  	s5 =	simm.s32 $_size__tile_overlayer_lowered;
	s6 =	simm.s32 $_tile_overlayer_lowered  }
0x9b: {  	s22 =	simm.s32 $0x1BFF;
	s21 =	sshll.u32 s6, $0x1;
	s3 =	sadd.s32 s4, s19  }
0x9c: {  	s7 =	simm.s32 $0x0;
	s20 =	sshll.u32 s5, $0x1;
	s5 =	sadd.s32 s21, s3  }
0x9d: {  	[timem:s7], [sflag:s22] =	dma.local [hbm:s5], s20  }
0x9e: {  	_ =	swait.ge [sflag:s22], s20  }
0x9f: {  	s4 =	ssub.s32 $0x0, s20;
	[sflag:s22] =	ssyncset.done $0x0  }
0xa0: {  	[sflag:s22] =	ssyncadd.s32 s4;
	_ =	sdelay $0x1  }
0xa1: {  	s23 =	simm.s32 $0x1B8B  }
0xa2: {  	_ =	swait.ge [sflag:s23], $0x1  }
0xa3: {  	[sflag:s23] =	ssyncset.done $0x0  }
0xa4: {  	s25 =	simm.s32 $0x1B8E;
	s24 =	sld [smem:$0x3FFE];
	[sflag:s23] =	ssyncadd.s32 $0xFFFFFFFF  }
0xa5: {  	s26 =	simm.s32 $execute0_lowered;
	[smem:$0x3FD2] =	sst s25  }
0xa6: {  	s5 =	sshll.u32 s26, $0x1;
	_ =	strace $0x80000046;
	[dreg:$0x1] =	wrdreg $0xFFFFFFFF  }
0xa7: {  	s28 =	simm.s32 $_size_execute0_lowered;
	s3 =	sadd.s32 s3, s5;
	[dreg:$0x0] =	wrdreg $0x0  }
0xa8: {  	s5 =	sshll.u32 s28, $0x1;
	[dreg:$0x2] =	wrdreg s3  }
0xa9: {  	[dreg:$0x3] =	wrdreg s5  }
0xaa: {  	[dreg:$0x4] =	wrdreg $0xC0  }
0xab: {  	_ =	task [dreg:s7], $0x5FFFF  }
0xac: {  	[dreg:$0x1] =	wrdreg $0xFFFFFFFF  }
0xad: {  	[dreg:$0x0] =	wrdreg $0x60  }
0xae: {  	[dreg:$0x2] =	wrdreg s24  }
0xaf: {  	[dreg:$0x3] =	wrdreg s2  }
0xb0: {  	[dreg:$0x4] =	wrdreg $0x0  }
0xb1: {  	[dreg:$0x5] =	wrdreg $0x9  }
0xb2: {  	_ =	task.clear_ibuf [dreg:s7], $0x6FFFF;
	_ =	strace $0x90000046  }
0xb3: {  	s29 =	simm.s32 $0x9;
	_ =	strace $0x80000048  }
0xb4: {  	_ =	swait.ge [sflag:s29], $0x1  }
0xb5: {  	[sflag:s29] =	ssyncadd.s32 $0xFFFFFFFF  }
0xb6: {  	_ =	strace $0x90000048  }
0xb7: {  	_ =	sfence  }
0xb8: {  	s30 =	sld [smem:$0x0];
	_ =	sdelay $0x2  }
0xb9: {  	s31 =	sshll.u32 s1, $0xD;
	s1 =	sshrl.u32 s1, $0x2  }
0xba: {  	s3 =	sand.u32 $0x4000, s31;
	s1 =	sadd.s32 s1, s30  }
0xbb: {  	s0 =	sor.u32 s3, s0;
	s1 =	sshll.u32 s1, $0x11  }
0xbc: {  	s0 =	sor.u32 s1, s0  }
0xbd: {  	s0 =	sadd.s32 $0x8F2B, s0  }
0xbe: {  	[sflag:s0] =	ssyncadd.remote.s32 $0x1  }
0xbf: {  	_ =	sfence.sel $0xFFFF  }
0xc0: {  	[dreg:$0x0] =	wrdreg $0xFFFFFFFF;
	(pc) =	sbr.abs _section_cstart, $3  }
0xc1: {  	[dreg:$0x1] =	wrdreg $0xFFFFFFFF  }
0xc2: {  	_ =	task.clear_ibuf [dreg:s7], $0x2FFFF;
	_ =	strace $0x9FFFFFFF  }
0xc3: {  	(tm) =	ssettm $0x7FFFFFFF  }
tec
execute0_lowered:
.L_overlay_start_1:
0x0: {  	(tag) =	ssettag $0x1  }
0x1: {  	s4 =	rddreg [dreg:$0x0]  }
0x2: {  	s5 =	rddreg [dreg:$0x1]  }
0x3: {  	s1 =	rddreg [dreg:$0x2]  }
0x4: {  	s0 =	rddreg [dreg:$0x3];
	s2 =	simm.s32 $0x0  }
0x5: {  	s6 =	srdreg.scid;
	s7 =	stileid.u32;
	s11 =	simm.s32 $0x2408  }
0x6: {  	s12 =	simm.s32 $0x6408;
	s13 =	simm.s32 $0x1;
	s14 =	simm.s32 $0x2  }
0x7: {  	s15 =	simm.s32 $0x0;
	[smem:$0x7FF] =	sst s2;
	s3 =	sadd.s32 $0x800, s4  }
0x8: {  	s6 =	sand.u32 $0x1, s6;
	s8 =	sshll.u32 s7, $0x12;
	s9 =	sshll.u32 s7, $0xE  }
0x9: {  	p0 =	sne.s32 s7, $0x0;
	_ =	strace $0x80000047;
	s10 =	sshll.u32 s6, $0xD  }
0xa: {  	s8 =	sadd.s32 s8, s4;
	s30 =	ssub.s32 $0x2, s6;
	s6 =	sshll.u32 s6, $0x11  }
0xb: {  	s7 =	sshrl.u32 @!p0 s1, $0x3;
	s9 =	sor.u32 s10, s9;
	s31 =	sshrl.u32 s30, $0x1  }
0xc: {  	s6 =	sadd.s32 s6, s8;
	s8 =	simm.s32 $0x408;
	s9 =	sshrl.u32 s9, $0x3  }
0xd: {  	s10 =	ssub.s32 s30, s31;
	s6 =	sadd.s32 $0x1A00, s6;
	s4 =	sadd.s32 s5, s9  }
0xe: {  	s5 =	smax.u32 s10, $0x1;
	s9 =	simm.s32 $0x3;
	s10 =	simm.s32 $0x80  }
.LBB2_1:
0xf: {  	s16 =	simm.s32 @!p0 $0x1C03  }
0x10: {  	[spmem:s7], [sflag:s16] =	dma.local @!p0 [hbm:s3], $0x1010  }
0x11: {  	s16 =	simm.s32 @!p0 $0x3  }
0x12: {  	_ =	swait.ge @!p0 [sflag:s16], $0x1010  }
0x13: {  	[sflag:s16] =	ssyncset.done @!p0 $0x0  }
0x14: {  	[sflag:s16] =	ssyncadd.s32 @!p0 $0xFFFFEFF0  }
0x15: {  	[tilespmem:s8], [sflag:$0x3] =	stream.linear.gather [hbm4b:s4+s2], $0x2000, $0x38;
	[tilespmem:$0xA408] =	vst v63  }
0x16: {  	_ =	swait.ge [sflag:s9], $0x2000  }
0x17: {  	[sflag:s9] =	ssyncset.done $0x0  }
0x18: {  	[sflag:s9] =	ssyncadd.s32 $0xFFFFE000  }
0x19: {  	s16 =	simm.s32 $0x0;
	[bflag:$0x0] =	sbarrier.arrive $0xFFFF  }
0x1a: {  	v1 =	vld [tilespmem:s16+$0x408]  }
0x1b: {  	v4 =	vld [tilespmem:s16+$0x468]  }
0x1c: {  	v2 =	vld [tilespmem:s16+$0x478]  }
0x1d: {  	v3 =	vld [tilespmem:s16+$0x428];
	_ =	sdelay $0x1  }
0x1e: {  	v0 =	vld [tilespmem:s16+$0x418]  }
0x1f: {  	v5 =	vld [tilespmem:s16+$0x458];
	vm0 =	vgt.s32 v1, $0xFFFFFF80;
	vm1 =	vgt.s32 v4, $0xFFFFFF80  }
0x20: {  	vm2 =	vgt.s32 v2, $0xFFFFFF80;
	v6 =	vnsel vm0, $0xFFFFFF80, v1;
	v1 =	vld [tilespmem:s16+$0x438];
	v4 =	vnsel vm1, $0xFFFFFF80, v4  }
0x21: {  	v7 =	vnsel vm2, $0xFFFFFF80, v2;
	vm2 =	vgt.s32 v3, $0xFFFFFF80;
	vm0 =	vlt.s32 v6, $0x80  }
0x22: {  	v2 =	vld [tilespmem:s16+$0x448];
	vm1 =	vlt.s32 v7, $0x80;
	v6 =	vnsel vm0, $0x80, v6;
	vm0 =	vlt.s32 v4, $0x80  }
0x23: {  	v7 =	vnsel vm1, $0x80, v7;
	v6 =	vadd.s32 $0x80, v6;
	v8 =	vnsel vm0, $0x80, v4  }
0x24: {  	vm1 =	vgt.s32 v0, $0xFFFFFF80;
	vm0 =	vgt.s32 v5, $0xFFFFFF80;
	[tilespmem:s16+$0x408] =	vst v6;
	v6 =	vadd.s32 $0x80, v8  }
0x25: {  	s17 =	simm.s32 $0x200;
	v4 =	vnsel vm0, $0xFFFFFF80, v5;
	v5 =	vadd.s32 $0x80, v7;
	vm0 =	vgt.s32 v1, $0xFFFFFF80;
	[tilespmem:s16+$0x468] =	vst v6  }
.LBB2_2:
0x26: {  	s18 =	sshra.s32 s17, $0x2;
	p1 =	sne.s32 s17, $0x7E00;
	s17 =	sadd.s32 $0x200, s17;
	v0 =	vnsel vm1, $0xFFFFFF80, v0;
	v3 =	vnsel vm2, $0xFFFFFF80, v3;
	vm1 =	vlt.s32 v4, $0x80;
	[tilespmem:s16+$0x478] =	vst v5  }
0x27: {  	vm4 =	vgt.s32 v2, $0xFFFFFF80;
	v5 =	vld [tilespmem:s18+$0x408];
	vm2 =	vlt.s32 v0, $0x80;
	vm3 =	vlt.s32 v3, $0x80  }
0x28: {  	v1 =	vnsel vm0, $0xFFFFFF80, v1;
	v6 =	vld [tilespmem:s18+$0x478];
	v0 =	vnsel vm2, $0x80, v0;
	v3 =	vnsel vm3, $0x80, v3  }
0x29: {  	v4 =	vnsel vm1, $0x80, v4;
	v7 =	vld [tilespmem:s18+$0x468];
	v0 =	vadd.s32 $0x80, v0;
	v3 =	vadd.s32 $0x80, v3  }
0x2a: {  	vm0 =	vlt.s32 v1, $0x80;
	v2 =	vnsel vm4, $0xFFFFFF80, v2;
	v4 =	vadd.s32 $0x80, v4;
	[tilespmem:s16+$0x418] =	vst v0  }
0x2b: {  	v1 =	vnsel vm0, $0x80, v1;
	vm0 =	vlt.s32 v2, $0x80;
	v0 =	vld [tilespmem:s18+$0x418];
	[tilespmem:s16+$0x458] =	vst v4  }
0x2c: {  	v1 =	vadd.s32 $0x80, v1;
	v2 =	vnsel vm0, $0x80, v2;
	vm1 =	vgt.s32 v5, $0xFFFFFF80;
	v4 =	vld [tilespmem:s18+$0x458];
	[tilespmem:s16+$0x428] =	vst v3  }
0x2d: {  	v2 =	vadd.s32 $0x80, v2;
	v5 =	vnsel vm1, $0xFFFFFF80, v5;
	v3 =	vld [tilespmem:s18+$0x428];
	[tilespmem:s16+$0x438] =	vst v1  }
0x2e: {  	vm2 =	vgt.s32 v6, $0xFFFFFF80;
	vm0 =	vlt.s32 v5, $0x80;
	v1 =	vld [tilespmem:s18+$0x438];
	vm1 =	vgt.s32 v7, $0xFFFFFF80;
	[tilespmem:s16+$0x448] =	vst v2;
	s16 =	smov.u32 s18  }
.Ltmp0:
0x2f: {  	v6 =	vnsel vm2, $0xFFFFFF80, v6;
	v5 =	vnsel vm0, $0x80, v5;
	v2 =	vld [tilespmem:s16+$0x448];
	v7 =	vnsel vm1, $0xFFFFFF80, v7;
	(pc) =	sbr.rel @p1 .LBB2_2-.Ltmp0, $4  }
0x30: {  	vm1 =	vlt.s32 v6, $0x80;
	v5 =	vadd.s32 $0x80, v5;
	vm0 =	vlt.s32 v7, $0x80  }
0x31: {  	v6 =	vnsel vm1, $0x80, v6;
	[tilespmem:s16+$0x408] =	vst v5;
	vm2 =	vgt.s32 v4, $0xFFFFFF80;
	v5 =	vnsel vm0, $0x80, v7  }
0x32: {  	v4 =	vnsel vm2, $0xFFFFFF80, v4;
	v7 =	vadd.s32 $0x80, v5;
	v5 =	vadd.s32 $0x80, v6  }
0x33: {  	vm1 =	vgt.s32 v0, $0xFFFFFF80;
	vm2 =	vgt.s32 v3, $0xFFFFFF80;
	vm0 =	vgt.s32 v1, $0xFFFFFF80;
	[tilespmem:s16+$0x468] =	vst v7  }
0x34: {  	v0 =	vnsel vm1, $0xFFFFFF80, v0;
	v3 =	vnsel vm2, $0xFFFFFF80, v3  }
0x35: {  	vm12 =	vlt.s32 v4, $0x80;
	vm14 =	vgt.s32 v2, $0xFFFFFF80;
	v1 =	vnsel vm0, $0xFFFFFF80, v1  }
0x36: {  	vm13 =	vlt.s32 v0, $0x80;
	vm3 =	vlt.s32 v3, $0x80;
	v4 =	vnsel vm12, $0x80, v4  }
0x37: {  	[tilespmem:s16+$0x478] =	vst v5;
	vm0 =	vlt.s32 v1, $0x80;
	v0 =	vnsel vm13, $0x80, v0;
	v63 =	vadd.s32 $0x80, v4  }
0x38: {  	v62 =	vnsel vm14, $0xFFFFFF80, v2;
	v3 =	vnsel vm3, $0x80, v3;
	v0 =	vadd.s32 $0x80, v0;
	[tilespmem:s16+$0x458] =	vst v63  }
0x39: {  	v1 =	vnsel vm0, $0x80, v1;
	vm15 =	vlt.s32 v62, $0x80;
	v3 =	vadd.s32 $0x80, v3;
	[tilespmem:s16+$0x418] =	vst v0  }
0x3a: {  	v1 =	vadd.s32 $0x80, v1;
	[tilespmem:s16+$0x428] =	vst v3;
	v0 =	vnsel vm15, $0x80, v62  }
0x3b: {  	[tilespmem:s16+$0x438] =	vst v1;
	v0 =	vadd.s32 $0x80, v0  }
0x3c: {  	s29 =	simm.s32 $0x408;
	[tilespmem:s16+$0x448] =	vst v0  }
0x3d: {  	[tilespmem:s11], [sflag:$0x1] =	stream.indirect.gather [spmem:s1], $0x40, s29, s10, $0xb8;
	[tilespmem:$0xA408] =	vst v63  }
0x3e: {  	s30 =	simm.s32 $0x488  }
0x3f: {  	[tilespmem:s12], [sflag:$0x2] =	stream.indirect.gather [spmem:s1], $0x40, s30, s10, $0xb8;
	[tilespmem:$0xA408] =	vst v63  }
0x40: {  	_ =	swait.ge [sflag:s13], $0x2000  }
0x41: {  	[sflag:s13] =	ssyncset.done $0x0  }
0x42: {  	[sflag:s13] =	ssyncadd.s32 $0xFFFFE000  }
0x43: {  	[hbm4b:s6+s2] =	stream.linear.scatter [tilespmem:s11], [sflag:$0x3], $0x4000, $0x38;
	[tilespmem:$0xA408] =	vst v63  }
0x44: {  	_ =	swait.ge [sflag:s9], $0x4000  }
0x45: {  	[sflag:s9] =	ssyncset.done $0x0  }
0x46: {  	[sflag:s9] =	ssyncadd.s32 $0xFFFFC000  }
0x47: {  	_ =	swait.ge [sflag:s14], $0x2000  }
0x48: {  	[sflag:s14] =	ssyncset.done $0x0  }
0x49: {  	s31 =	sadd.s32 $0x800, s6;
	[sflag:s14] =	ssyncadd.s32 $0xFFFFE000  }
0x4a: {  	[hbm4b:s31+s2] =	stream.linear.scatter [tilespmem:s12], [sflag:$0x3], $0x4000, $0x38;
	[tilespmem:$0xA408] =	vst v63  }
0x4b: {  	s18 =	simm.s32 $0x800;
	_ =	swait.ge [sflag:s9], $0x4000  }
0x4c: {  	s17 =	simm.s32 $0x100;
	s16 =	sadd.s32 $0x1000, s6;
	[sflag:s9] =	ssyncset.done $0x0  }
.LBB2_4:
0x4d: {  	s19 =	sadd.s32 $0x408, s17  }
0x4e: {  	[sflag:s9] =	ssyncadd.s32 $0xFFFFC000;
	s20 =	smov.u32 s18;
	s21 =	sadd.s32 $0x400, s18  }
0x4f: {  	[tilespmem:s11], [sflag:$0x1] =	stream.indirect.gather [spmem:s1], $0x40, s19, s10, $0xb8;
	[tilespmem:$0xA408] =	vst v63  }
0x50: {  	p1 =	sne.s32 s18, $0x7C00;
	s17 =	sadd.s32 $0x488, s17  }
0x51: {  	[tilespmem:s12], [sflag:$0x2] =	stream.indirect.gather [spmem:s1], $0x40, s17, s10, $0xb8;
	[tilespmem:$0xA408] =	vst v63  }
0x52: {  	_ =	swait.ge [sflag:s13], $0x2000  }
0x53: {  	[sflag:s13] =	ssyncset.done $0x0  }
0x54: {  	[sflag:s13] =	ssyncadd.s32 $0xFFFFE000  }
0x55: {  	[hbm4b:s16+s2] =	stream.linear.scatter [tilespmem:s11], [sflag:$0x3], $0x4000, $0x38;
	[tilespmem:$0xA408] =	vst v63  }
0x56: {  	_ =	swait.ge [sflag:s9], $0x4000  }
0x57: {  	[sflag:s9] =	ssyncset.done $0x0  }
0x58: {  	[sflag:s9] =	ssyncadd.s32 $0xFFFFC000  }
0x59: {  	_ =	swait.ge [sflag:s14], $0x2000  }
.Ltmp1:
0x5a: {  	[sflag:s14] =	ssyncset.done $0x0;
	(pc) =	sbr.rel @p1 .LBB2_4-.Ltmp1, $4  }
0x5b: {  	s17 =	sadd.s32 $0x800, s16;
	[sflag:s14] =	ssyncadd.s32 $0xFFFFE000  }
0x5c: {  	[hbm4b:s17+s2] =	stream.linear.scatter [tilespmem:s12], [sflag:$0x3], $0x4000, $0x38;
	[tilespmem:$0xA408] =	vst v63  }
0x5d: {  	s18 =	smov.u32 s21;
	_ =	swait.ge [sflag:s9], $0x4000  }
0x5e: {  	s16 =	sadd.s32 $0x1000, s16;
	s17 =	sshra.s32 s20, $0x2;
	[sflag:s9] =	ssyncset.done $0x0  }
0x5f: {  	s18 =	sadd.s32 $0x408, s17;
	[sflag:s9] =	ssyncadd.s32 $0xFFFFC000  }
0x60: {  	[tilespmem:s11], [sflag:$0x1] =	stream.indirect.gather [spmem:s1], $0x40, s18, s10, $0xb8;
	[tilespmem:$0xA408] =	vst v63  }
0x61: {  	s30 =	sadd.s32 $0x488, s17  }
0x62: {  	[tilespmem:s12], [sflag:$0x2] =	stream.indirect.gather [spmem:s1], $0x40, s30, s10, $0xb8;
	[tilespmem:$0xA408] =	vst v63  }
0x63: {  	_ =	swait.ge [sflag:s13], $0x2000  }
0x64: {  	[sflag:s13] =	ssyncset.done $0x0  }
0x65: {  	[sflag:s13] =	ssyncadd.s32 $0xFFFFE000  }
0x66: {  	[hbm4b:s16+s2] =	stream.linear.scatter [tilespmem:s11], [sflag:$0x3], $0x4000, $0x38;
	[tilespmem:$0xA408] =	vst v63  }
0x67: {  	_ =	swait.ge [sflag:s9], $0x4000  }
0x68: {  	[sflag:s9] =	ssyncset.done $0x0  }
0x69: {  	[sflag:s9] =	ssyncadd.s32 $0xFFFFC000  }
0x6a: {  	s15 =	sadd.s32 $0x1, s15;
	_ =	swait.ge [sflag:s14], $0x2000  }
0x6b: {  	p1 =	sne.s32 s15, s5;
	[sflag:s14] =	ssyncset.done $0x0  }
.Ltmp2:
0x6c: {  	s31 =	sadd.s32 $0x800, s16;
	[sflag:s14] =	ssyncadd.s32 $0xFFFFE000;
	(pc) =	sbr.rel @p1 .LBB2_1-.Ltmp2, $4  }
0x6d: {  	[hbm4b:s31+s2] =	stream.linear.scatter [tilespmem:s12], [sflag:$0x3], $0x4000, $0x38;
	[tilespmem:$0xA408] =	vst v63  }
0x6e: {  	_ =	swait.ge [sflag:s9], $0x4000  }
0x6f: {  	[sflag:s9] =	ssyncset.done $0x0  }
0x70: {  	[sflag:s9] =	ssyncadd.s32 $0xFFFFC000  }
0x71: {  	_ =	sfence.sel $0x180000  }
0x72: {  	[bflag:$0x0] =	sbarrier.arrive $0xFFFF  }
0x73: {  	_ =	strace $0x90000047  }
0x74: {  	s0 =	sadd.s32 @!p0 $0x100000, s0;
	[bflag:$0x2] =	sbarrier.arrive $0xFFFF  }
0x75: {  	[sflag:s0] =	ssyncadd.tile.s32 @!p0 $0x1;
	_ =	shalt  }
.Lfunc_end2:
_tile_overlayer_lowered:
.L_overlay_start_2:
0x76: {  	(tag) =	ssettag $0x2  }
0x77: {  	s0 =	rddreg [dreg:$0x0];
	s2 =	stileid.u32  }
0x78: {  	s1 =	rddreg [dreg:$0x1];
	p0 =	sne.s32 s2, $0x0  }
0x79: {  	s3 =	rddreg [dreg:$0x2];
	[bflag:$0x3] =	sbarrier.arrive $0xFFFF;
	s2 =	simm.s32 @!p0 $0x1C03  }
0x7a: {  	[timem:s3], [sflag:s2] =	dma.local @!p0 [hbm:s0], s1  }
0x7b: {  	s0 =	simm.s32 @!p0 $0x3  }
0x7c: {  	_ =	swait.ge @!p0 [sflag:s0], s1  }
0x7d: {  	s1 =	ssub.s32 @!p0 $0x0, s1;
	[sflag:s0] =	ssyncset.done @!p0 $0x0  }
0x7e: {  	[sflag:s0] =	ssyncadd.s32 @!p0 s1  }
0x7f: {  	[bflag:$0x3] =	sbarrier.arrive $0xFFFF  }
0x80: {  	_ =	shalt  }

// kernel: sparse-core-data-format-call.cloned.1.call-start
scs
called_computation_lowered:
.L_overlay_start_0:
0x0: {  	s2 =	sld [smem:$0x3FD9]  }
0x1: {  	s3 =	sld [smem:$0x3FFE];
	_ =	sdelay $0x1  }
0x2: {  	s1 =	srdreg.scid  }
0x3: {  	s0 =	sand.u32 $0x1, s1  }
0x4: {  	s18 =	sshll.u32 s0, $0xA;
	s2 =	sadd.s32 s3, s2  }
0x5: {  	s2 =	sadd.s32 s2, s18  }
0x6: {  	[smem:$0x3FC6] =	sst s2  }
0x7: {  	_ = 	snop  }
0x8: {  	s2 =	sld [smem:$0x3FD0];
	(tm) =	ssettm $0x1  }
0x9: {  	s19 =	sld [smem:$0x3FFB];
	_ =	sdelay $0x3  }
0xa: {  	_ =	strace s19  }
0xb: {  	s3 =	sld [smem:$0x3FFC];
	_ =	sdelay $0x3  }
0xc: {  	_ =	strace s3  }
0xd: {  	s3 =	sld [smem:$0x3FFD];
	_ =	sdelay $0x3  }
0xe: {  	_ =	strace s3  }
0xf: {  	_ =	strace $0x8FFFFFFF  }
0x10: {  	s20 =	sld [smem:$0x3FDB];
	_ =	sdelay $0x1  }
0x11: {  	s4 =	simm.s32 $_scs_section_size  }
0x12: {  	s5 =	simm.s32 $_size__tile_overlayer_lowered;
	s6 =	simm.s32 $_tile_overlayer_lowered  }
0x13: {  	s23 =	simm.s32 $0x1BFF;
	s22 =	sshll.u32 s6, $0x1;
	s3 =	sadd.s32 s4, s20  }
0x14: {  	s7 =	simm.s32 $0x0;
	s21 =	sshll.u32 s5, $0x1;
	s5 =	sadd.s32 s22, s3  }
0x15: {  	[timem:s7], [sflag:s23] =	dma.local [hbm:s5], s21  }
0x16: {  	_ =	swait.ge [sflag:s23], s21  }
0x17: {  	s4 =	ssub.s32 $0x0, s21;
	[sflag:s23] =	ssyncset.done $0x0  }
0x18: {  	[sflag:s23] =	ssyncadd.s32 s4;
	_ =	sdelay $0x1  }
0x19: {  	s24 =	simm.s32 $0x1B8B  }
0x1a: {  	_ =	swait.ge [sflag:s24], $0x1  }
0x1b: {  	[sflag:s24] =	ssyncset.done $0x0  }
0x1c: {  	s26 =	simm.s32 $0x1B8E;
	s25 =	sld [smem:$0x3FFE];
	[sflag:s24] =	ssyncadd.s32 $0xFFFFFFFF  }
0x1d: {  	s27 =	simm.s32 $execute0_lowered;
	[smem:$0x3FD2] =	sst s26  }
0x1e: {  	s5 =	sshll.u32 s27, $0x1;
	_ =	strace $0x80000049;
	[dreg:$0x1] =	wrdreg $0xFFFFFFFF  }
0x1f: {  	s28 =	simm.s32 $_size_execute0_lowered;
	s3 =	sadd.s32 s3, s5;
	[dreg:$0x0] =	wrdreg $0x0  }
0x20: {  	s5 =	sshll.u32 s28, $0x1;
	[dreg:$0x2] =	wrdreg s3  }
0x21: {  	[dreg:$0x3] =	wrdreg s5  }
0x22: {  	[dreg:$0x4] =	wrdreg $0xC0  }
0x23: {  	_ =	task [dreg:s7], $0x5FFFF  }
0x24: {  	[dreg:$0x1] =	wrdreg $0xFFFFFFFF  }
0x25: {  	[dreg:$0x0] =	wrdreg $0x60  }
0x26: {  	[dreg:$0x2] =	wrdreg s25  }
0x27: {  	[dreg:$0x3] =	wrdreg s2  }
0x28: {  	[dreg:$0x4] =	wrdreg $0x9  }
0x29: {  	_ =	task.clear_ibuf [dreg:s7], $0x5FFFF;
	_ =	strace $0x90000049  }
0x2a: {  	s29 =	simm.s32 $0x9;
	_ =	strace $0x8000004B  }
0x2b: {  	_ =	swait.ge [sflag:s29], $0x1  }
0x2c: {  	[sflag:s29] =	ssyncadd.s32 $0xFFFFFFFF  }
0x2d: {  	_ =	strace $0x9000004B  }
0x2e: {  	_ =	sfence  }
0x2f: {  	s30 =	sld [smem:$0x0];
	_ =	sdelay $0x2  }
0x30: {  	s31 =	sshll.u32 s1, $0xD;
	s1 =	sshrl.u32 s1, $0x2  }
0x31: {  	s3 =	sand.u32 $0x4000, s31;
	s1 =	sadd.s32 s1, s30  }
0x32: {  	s0 =	sor.u32 s3, s0;
	s1 =	sshll.u32 s1, $0x11  }
0x33: {  	s0 =	sor.u32 s1, s0  }
0x34: {  	s0 =	sadd.s32 $0x8F2B, s0  }
0x35: {  	[sflag:s0] =	ssyncadd.remote.s32 $0x1  }
0x36: {  	_ =	sfence.sel $0xFFFF  }
0x37: {  	[dreg:$0x0] =	wrdreg $0xFFFFFFFF;
	(pc) =	sbr.abs _section_cstart, $3  }
0x38: {  	[dreg:$0x1] =	wrdreg $0xFFFFFFFF  }
0x39: {  	_ =	task.clear_ibuf [dreg:s7], $0x2FFFF;
	_ =	strace $0x9FFFFFFF  }
0x3a: {  	(tm) =	ssettm $0x7FFFFFFF  }
0x3b: {  	_ =	shalt  }
tec
execute0_lowered:
.L_overlay_start_1:
0x0: {  	(tag) =	ssettag $0x1  }
0x1: {  	s1 =	srdreg.scid  }
0x2: {  	s0 =	stileid.u32;
	s8 =	rddreg [dreg:$0x0]  }
0x3: {  	s2 =	rddreg [dreg:$0x1];
	s7 =	simm.s32 $0x1;
	s1 =	sshll.u32 s1, $0x4  }
0x4: {  	s9 =	simm.s32 $0x2;
	s15 =	simm.s32 $0x0;
	s1 =	sor.u32 s0, s1  }
0x5: {  	s10 =	simm.s32 $0x4000;
	s16 =	simm.s32 $0x0;
	s1 =	sshrl.u32 s1, $0x2  }
0x6: {  	s17 =	simm.s32 $0x0;
	s11 =	simm.s32 $0x0;
	s3 =	sand.u32 $0x6, s1  }
0x7: {  	s14 =	simm.s32 $0x0;
	s4 =	sadd.s32 $0x1A00, s8;
	s6 =	ssub.s32 $0x10, s3  }
0x8: {  	s8 =	sadd.s32 $0x9A00, s8;
	s1 =	rddreg [dreg:$0x2];
	s5 =	sand.u32 $0x6, s6  }
.Ltmp0:
0x9: {  	_ =	strace $0x8000004A;
	p0 =	sne.s32 s5, $0x0;
	(pc) =	sbr.rel .LBB1_1-.Ltmp0, $4  }
0xa: {  	s6 =	sshrl.u32 s6, $0x3;
	s5 =	simm.s32 $0x1;
	s7 =	simm.s32 @!p0 $0x0  }
0xb: {  	s12 =	smov.u32 s3;
	[sflag:s5] =	ssyncpa.u1 $0x0;
	s7 =	sadd.s32 s7, s6  }
0xc: {  	p0 =	por $0x0, $0x0;
	s6 =	sand.u32 $0x7, s0;
	s7 =	sshll.u32 s7, $0x4  }
0xd: {  	[sflag:s9] =	ssyncpa.u1 $0x0;
	s13 =	smov.u32 s6;
	s9 =	sor.u32 $0x1, s7  }
.LBB1_7:
0xe: {  	s18 =	sadd.s32 $0x80, s11  }
0xf: {  	s15 =	sadd.s32 $0x8, s12;
	s19 =	smov.u32 s12;
	p2 =	sgt.s32 s18, $0x7FF  }
0x10: {  	s19 =	smov.u32 @p2 s15  }
0x11: {  	s21 =	smov.u32 s13;
	s15 =	sadd.s32 $0x8, s13;
	p3 =	sgt.s32 s19, $0xF  }
0x12: {  	s21 =	smov.u32 @p3 s15  }
0x13: {  	s18 =	simm.s32 @p2 $0x0;
	p2 =	sgt.s32 s21, $0x7  }
0x14: {  	p1 =	slt.u32 s14, $0x2;
	s21 =	smov.u32 @p2 s6;
	p2 =	sne.s32 s14, s9  }
.Ltmp1:
0x15: {  	s20 =	simm.s32 @!p1 $0x2;
	(pc) =	sbr.rel @!p2 .LBB1_8-.Ltmp1, $4  }
0x16: {  	s16 =	smov.u32 s12;
	s17 =	smov.u32 s13;
	_ =	swait.ge @!p1 [sflag:s20], $0x4000  }
0x17: {  	p0 =	por !p0, !p0;
	[sflag:s20] =	ssyncset.done @!p1 $0x0;
	s19 =	smov.u32 @p3 s3  }
0x18: {  	s15 =	smov.u32 s11;
	[sflag:s20] =	ssyncadd.s32 @!p1 $0xFFFFC000;
	s11 =	smov.u32 s18  }
0x19: {  	s12 =	smov.u32 s19;
	s14 =	sadd.s32 $0x1, s14;
	s13 =	smov.u32 s21  }
.LBB1_1:
0x1a: {  	p1 =	sge.u32 s14, s7  }
0x1b: {  	s18 =	sxor.u32 @!p1 $0xFFFFFFFF, s14;
	s19 =	sshll.u32 @!p1 s13, $0x13  }
0x1c: {  	s20 =	sshll.u32 @!p1 s12, $0xF;
	s22 =	sshll.u32 @!p1 s11, $0x4;
	s23 =	simm.s32 @!p1 $0x40  }
0x1d: {  	s24 =	simm.s32 @!p1 $0x80;
	s18 =	sshll.u32 @!p1 s18, $0xE;
	s21 =	sadd.s32 @!p1 s19, s20  }
0x1e: {  	s22 =	sand.u32 @!p1 $0x7FF0, s22;
	s19 =	sadd.s32 @!p1 s19, s8;
	s21 =	sadd.s32 @!p1 s4, s21  }
0x1f: {  	s18 =	sand.u32 @!p1 $0x4000, s18;
	s19 =	sadd.s32 @!p1 s20, s19;
	s21 =	sadd.s32 @!p1 s22, s21  }
0x20: {  	[tilespmem:s18], [sflag:$0x1] =	stream.strided.gather @!p1 [hbm4b:s21+s23], $0x2000, s24, s23, $0x38;
	[tilespmem:$0x10100] =	vst v63  }
0x21: {  	s31 =	sadd.s32 $0xFFFFFFFF, s14;
	s19 =	sadd.s32 @!p1 s22, s19;
	s18 =	sor.u32 @!p1 $0x2000, s18  }
0x22: {  	[tilespmem:s18], [sflag:$0x1] =	stream.strided.gather @!p1 [hbm4b:s19+s23], $0x2000, s24, s23, $0x38;
	[tilespmem:$0x10100] =	vst v63  }
0x23: {  	p1 =	sge.u32 s31, s7  }
.Ltmp2:
0x24: {  	_ = 	snop;
	(pc) =	sbr.rel @p1 .LBB1_7-.Ltmp2, $1  }
0x25: {  	_ =	sdelay $0x3  }
0x26: {  	s18 =	simm.s32 $0x1;
	s20 =	sand.u32 $0x1, s14  }
0x27: {  	_ =	swait.ge [sflag:s5], $0x4000;
	s18 =	simm.s32 @!p0 $0x0;
	s20 =	smul.u32 $0x10200, s20  }
0x28: {  	p2 =	por $0x1, $0x1;
	[sflag:s5] =	ssyncset.done $0x0;
	s19 =	smul.u32 $0x10200, s18  }
0x29: {  	s21 =	sshll.u32 s18, $0x10;
	[sflag:s5] =	ssyncadd.s32 $0xFFFFC000;
	s30 =	sshrl.u32 s20, $0x2  }
0x2a: {  	s31 =	sshrl.u32 s21, $0x2;
	s21 =	simm.s32 $0x0;
	s19 =	sshrl.u32 s19, $0x2  }
0x2b: {  	s18 =	sor.u32 $0x8000, s30;
	s20 =	sadd.s32 $0x20, s31;
	s19 =	sor.u32 $0x8000, s19  }
.LBB1_3:
0x2c: {  	s22 =	sshll.u32 s21, $0xD  }
0x2d: {  	s22 =	sand.u32 $0x3FFFE000, s22  }
0x2e: {  	s24 =	sadd.s32 s22, s20  }
0x2f: {  	s31 =	smul.u32 $0x8100, s21;
	v3 =	vld [tilespmem:s24+$0x10]  }
0x30: {  	v1 =	vld [tilespmem:s24+$0xFFFFFFF0]  }
0x31: {  	s21 =	sshra.s32 s31, $0x2;
	v0 =	vld [tilespmem:s24+$0x0]  }
0x32: {  	s21 =	sadd.s32 s21, s19;
	v2 =	vld [tilespmem:s24+$0xFFFFFFE0]  }
0x33: {  	s22 =	sadd.s32 $0x0, s21  }
0x34: {  	p1 =	por p2, p2;
	s23 =	simm.s32 $0x4;
	s24 =	sadd.s32 $0x40, s24;
	[tilespmem:s22+$0x1830 ss:$0x81] =	vst.msk $0xffff, v3  }
.LBB1_4:
0x35: {  	v3 =	vld [tilespmem:s24+$0x10];
	p2 =	sne.s32 s23, $0x1FC;
	[tilespmem:s22+$0x810 ss:$0x81] =	vst.msk $0xffff, v1;
	s25 =	smov.u32 s23;
	s23 =	sadd.s32 $0x4, s23  }
.Ltmp3:
0x36: {  	v1 =	vld [tilespmem:s24+$0xFFFFFFF0];
	[tilespmem:s22+$0x1020 ss:$0x81] =	vst.msk $0xffff, v0;
	(pc) =	sbr.rel @p2 .LBB1_4-.Ltmp3, $4  }
0x37: {  	v0 =	vld [tilespmem:s24+$0x0];
	[tilespmem:s22+$0x0 ss:$0x81] =	vst.msk $0xffff, v2  }
0x38: {  	s22 =	sshra.s32 s25, $0x2;
	v2 =	vld [tilespmem:s24+$0xFFFFFFE0]  }
0x39: {  	s22 =	sadd.s32 s22, s21  }
0x3a: {  	s24 =	sadd.s32 $0x40, s24;
	[tilespmem:s22+$0x1830 ss:$0x81] =	vst.msk $0xffff, v3  }
.Ltmp4:
0x3b: {  	(pc) =	sbr.rel @p1 .LBB1_3-.Ltmp4, $4  }
0x3c: {  	_ = 	snop  }
0x3d: {  	[tilespmem:s22+$0x810 ss:$0x81] =	vst.msk $0xffff, v1  }
0x3e: {  	[tilespmem:s22+$0x1020 ss:$0x81] =	vst.msk $0xffff, v0  }
0x3f: {  	s21 =	simm.s32 $0x1;
	p2 =	por $0x0, $0x0;
	[tilespmem:s22+$0x0 ss:$0x81] =	vst.msk $0xffff, v2  }
0x40: {  	s19 =	sshll.u32 s15, $0x3;
	s20 =	sand.u32 $0x78, s15  }
0x41: {  	s17 =	sshll.u32 s17, $0x12;
	s16 =	sshll.u32 s16, $0xE;
	s29 =	sand.u32 $0x3F00, s15  }
.Ltmp5:
0x42: {  	s19 =	sand.u32 $0x400, s19;
	s17 =	sadd.s32 s2, s17;
	(pc) =	sbr.rel .LBB1_7-.Ltmp5, $4  }
0x43: {  	s30 =	sand.u32 $0x7, s15;
	s19 =	sor.u32 s20, s19;
	s16 =	sadd.s32 s16, s17  }
0x44: {  	s15 =	sshll.u32 s30, $0x12;
	s31 =	sshrl.u32 s19, $0x3;
	s16 =	sadd.s32 s29, s16  }
0x45: {  	s15 =	sor.u32 $0x400, s15;
	s16 =	sadd.s32 s31, s16  }
0x46: {  	[hbm4b:s16+s15] =	stream.strided.scatter [tilespmem:s18], [sflag:$0x2], $0x4000, s10, s15, $0x20;
	[tilespmem:$0x10100] =	vst v63  }
.LBB1_8:
0x47: {  	_ =	sfence.sel $0x180000  }
0x48: {  	s2 =	simm.s32 $0x1;
	[bflag:$0x0] =	sbarrier.arrive $0xFFFF  }
0x49: {  	s31 =	simm.s32 $0x2;
	[sflag:s2] =	ssyncpa.u1 $0x1  }
0x4a: {  	[sflag:s31] =	ssyncpa.u1 $0x1  }
0x4b: {  	p0 =	sne.s32 s0, $0x0;
	_ =	strace $0x9000004A  }
0x4c: {  	s0 =	sadd.s32 @!p0 $0x100000, s1;
	[bflag:$0x2] =	sbarrier.arrive $0xFFFF  }
0x4d: {  	[sflag:s0] =	ssyncadd.tile.s32 @!p0 $0x1;
	_ =	shalt  }
.Lfunc_end1:
_tile_overlayer_lowered:
.L_overlay_start_2:
0x4e: {  	(tag) =	ssettag $0x2  }
0x4f: {  	s0 =	rddreg [dreg:$0x0];
	s2 =	stileid.u32  }
0x50: {  	s1 =	rddreg [dreg:$0x1];
	p0 =	sne.s32 s2, $0x0  }
0x51: {  	s3 =	rddreg [dreg:$0x2];
	[bflag:$0x3] =	sbarrier.arrive $0xFFFF;
	s2 =	simm.s32 @!p0 $0x1C01  }
0x52: {  	[timem:s3], [sflag:s2] =	dma.local @!p0 [hbm:s0], s1  }
0x53: {  	s0 =	simm.s32 @!p0 $0x1  }
0x54: {  	_ =	swait.ge @!p0 [sflag:s0], s1  }
0x55: {  	s1 =	ssub.s32 @!p0 $0x0, s1;
	[sflag:s0] =	ssyncset.done @!p0 $0x0  }
0x56: {  	[sflag:s0] =	ssyncadd.s32 @!p0 s1  }
0x57: {  	[bflag:$0x3] =	sbarrier.arrive $0xFFFF  }
0x58: {  	_ =	shalt  }

</sc_bundles>
